<compile_context>
chip_gen: v7x
topology: tpu7x:2x2x1
jax: 0.10.2.dev20260603
libtpu: 0.0.44.dev20260713+nightly
codegen_flags: <defaults>
</compile_context>

<pallas_src>
import jax
import jax.numpy as jnp
from jax import lax
from jax.experimental import pallas as pl
from jax.experimental.pallas import tpu as pltpu
from jax.experimental.pallas import tpu_sc as plsc

_N_ROWS = 4096
_N_COLS = 100000
_NC = 2
_NS = 16
_L = 16
_NW = _NC * _NS
_ROWS_PER_TILE = _N_ROWS // _NW
_CHUNKS = _ROWS_PER_TILE // _L


def _ganloss_body(pf_hbm, tgt_hbm, rew_hbm, out_hbm,
                  tgt_v, idx_v, rew_v, vals_v, buf_v, sem, sem2):
    cid = lax.axis_index("c")
    sid = lax.axis_index("s")
    wid = sid * _NC + cid
    base = wid * _ROWS_PER_TILE

    tgt_cp = pltpu.make_async_copy(
        tgt_hbm.at[pl.ds(base, _ROWS_PER_TILE)], tgt_v, sem)
    tgt_cp.start()
    rew_cp = pltpu.make_async_copy(
        rew_hbm.at[pl.ds(base, _ROWS_PER_TILE)], rew_v, sem2)
    rew_cp.start()
    tgt_cp.wait()

    lanes = lax.iota(jnp.int32, _L)
    for j0 in range(_CHUNKS):
        c = tgt_v[pl.ds(j0 * _L, _L)]
        i = (base + j0 * _L) + lanes
        ih = lax.shift_right_logical(i, 7)
        il = jnp.bitwise_and(i, jnp.int32(127))
        ch = lax.shift_right_logical(c, 3)
        cl = jnp.bitwise_and(c, jnp.int32(7))
        idx_v[pl.ds(j0 * _L, _L)] = (ch * 32 + ih) * 1024 + cl * 128 + il

    cp = pltpu.make_async_copy(pf_hbm.at[idx_v], vals_v, sem)
    cp.start()
    rew_cp.wait()
    cp.wait()

    acc = jnp.zeros((_L,), jnp.float32)
    for j0 in range(_CHUNKS):
        acc = acc + vals_v[pl.ds(j0 * _L, _L)] * rew_v[pl.ds(j0 * _L, _L)]

    buf_v[...] = -acc
    pltpu.sync_copy(buf_v, out_hbm.at[pl.ds(wid * _L, _L)])


@jax.jit
def _ganloss(prob, target_i32, reward):
    pf = jnp.transpose(
        prob.reshape(32, 128, 12500, 8), (2, 0, 3, 1)).reshape(-1)
    mesh = plsc.VectorSubcoreMesh(core_axis_name="c", subcore_axis_name="s")
    run = pl.kernel(
        _ganloss_body,
        out_type=jax.ShapeDtypeStruct((_NW * _L,), jnp.float32),
        mesh=mesh,
        compiler_params=pltpu.CompilerParams(needs_layout_passes=False),
        scratch_types=[
            pltpu.VMEM((_ROWS_PER_TILE,), jnp.int32),
            pltpu.VMEM((_ROWS_PER_TILE,), jnp.int32),
            pltpu.VMEM((_ROWS_PER_TILE,), jnp.float32),
            pltpu.VMEM((_ROWS_PER_TILE,), jnp.float32),
            pltpu.VMEM((_L,), jnp.float32),
            pltpu.SemaphoreType.DMA,
            pltpu.SemaphoreType.DMA,
        ],
    )
    out = run(pf, target_i32, reward)
    return jnp.sum(out)


def kernel(prob, target, reward):
    return _ganloss(prob, target.astype(jnp.int32), reward)

# --- scband reference (transcript-rebuilt; emitter-appended) ---
"""Pipeline reference for scband-ganloss-52639119180452 (READ-ONLY COPY).

The authoritative reference and input builder live on the scoring server;
editing this copy changes nothing except your own understanding.
"""

import jax, jax.numpy as jnp
import numpy as np

def setup_inputs(seed: int = 0) -> dict:
    key = jax.random.key(seed)
    k1, k2, k3 = jax.random.split(key, 3)
    prob = jax.random.uniform(k1, (4096, 100000), dtype=jnp.float32)
    target = jax.random.randint(k2, (4096,), 0, 100000, dtype=jnp.int64 if jax.config.jax_enable_x64 else jnp.int32)
    reward = jax.random.uniform(k3, (4096,), dtype=jnp.float32)
    return {"prob": prob, "target": target, "reward": reward}

def reference(prob, target, reward):
    # one_hot scatter + masked_select is equivalent to gathering prob[i, target[i]]
    gathered = jnp.take_along_axis(prob, target[:, None].astype(jnp.int32), axis=1).squeeze(-1)
    loss = gathered * reward
    return -jnp.sum(loss)

if __name__ == "__main__":
    import jax
    _d = setup_inputs()
    print(jax.jit(kernel)(*tuple(_d.values())))

</pallas_src>

<mosaic_0001>
#map = affine_map<(d0, d1) -> (0)>
module attributes {stable_mosaic.version = 14 : i64} {
  func.func @_ganloss_body(%arg0: i32, %arg1: i32, %arg2: memref<409600000xf32, #tpu.memory_space<hbm>>, %arg3: memref<4096xi32, #tpu.memory_space<hbm>>, %arg4: memref<4096xf32, #tpu.memory_space<hbm>>, %arg5: memref<512xf32, #tpu.memory_space<hbm>>, %arg6: memref<128xi32, #tpu.memory_space<vmem>>, %arg7: memref<128xi32, #tpu.memory_space<vmem>>, %arg8: memref<128xf32, #tpu.memory_space<vmem>>, %arg9: memref<128xf32, #tpu.memory_space<vmem>>, %arg10: memref<16xf32, #tpu.memory_space<vmem>>, %arg11: memref<!tpu.dma_semaphore, #tpu.memory_space<semaphore_mem>>, %arg12: memref<!tpu.dma_semaphore, #tpu.memory_space<semaphore_mem>>) attributes {dimension_semantics = [#tpu.dimension_semantics<core_parallel>, #tpu.dimension_semantics<subcore_parallel>], iteration_bounds = array<i64: 2, 16>, scalar_prefetch = 0 : i64, scratch_operands = 7 : i64, tpu.core_type = #tpu.core_type<sc_vector_subcore>, window_params = [{transform_indices = #map}, {transform_indices = #map}, {transform_indices = #map}, {transform_indices = #map}]} {
    %mul3A = arith.constant 2 : i32
    %mul3A_0 = arith.muli %arg1, %mul3A : i32
    %add3A = arith.addi %mul3A_0, %arg0 : i32
    %mul3A_1 = arith.constant 128 : i32
    %mul3A_2 = arith.muli %add3A, %mul3A_1 : i32
    %dma_start3A = tpu.memref_slice %arg3[%mul3A_2] : memref<4096xi32, #tpu.memory_space<hbm>> -> memref<128xi32, #tpu.memory_space<hbm>>
    %dma_start3A_3 = tpu.memref_slice %arg3[%mul3A_2] : memref<4096xi32, #tpu.memory_space<hbm>> -> memref<128xi32, #tpu.memory_space<hbm>>
    tpu.enqueue_dma source(%dma_start3A_3 : memref<128xi32, #tpu.memory_space<hbm>>) target(%arg6 : memref<128xi32, #tpu.memory_space<vmem>>) target_semaphore(%arg11 : memref<!tpu.dma_semaphore, #tpu.memory_space<semaphore_mem>>)
    %dma_start3A_4 = tpu.memref_slice %arg4[%mul3A_2] : memref<4096xf32, #tpu.memory_space<hbm>> -> memref<128xf32, #tpu.memory_space<hbm>>
    %dma_start3A_5 = tpu.memref_slice %arg4[%mul3A_2] : memref<4096xf32, #tpu.memory_space<hbm>> -> memref<128xf32, #tpu.memory_space<hbm>>
    tpu.enqueue_dma source(%dma_start3A_5 : memref<128xf32, #tpu.memory_space<hbm>>) target(%arg8 : memref<128xf32, #tpu.memory_space<vmem>>) target_semaphore(%arg12 : memref<!tpu.dma_semaphore, #tpu.memory_space<semaphore_mem>>)
    %dma_wait3A = tpu.memref_slice %arg3[%mul3A_2] : memref<4096xi32, #tpu.memory_space<hbm>> -> memref<128xi32, #tpu.memory_space<hbm>>
    %dma_wait3A_6 = tpu.memref_slice %arg3[%mul3A_2] : memref<4096xi32, #tpu.memory_space<hbm>> -> memref<128xi32, #tpu.memory_space<hbm>>
    tpu.wait_dma2 semaphore(%arg11 : memref<!tpu.dma_semaphore, #tpu.memory_space<semaphore_mem>>) src(%dma_wait3A_6 : memref<128xi32, #tpu.memory_space<hbm>>) dst(%arg6 : memref<128xi32, #tpu.memory_space<vmem>>)
    %iota3A = tpu.iota {dimensions = array<i32: 0>} : vector<16xi32>
    %get3A = arith.constant 0 : index
    %get3A_7 = tpu.vector_load %arg6[%get3A] {strides = array<i32>} : memref<128xi32, #tpu.memory_space<vmem>>, vector<16xi32>,
    %add3A_8 = arith.constant 0 : i32
    %add3A_9 = arith.addi %mul3A_2, %add3A_8 : i32
    %add3A_10 = vector.broadcast %add3A_9 : i32 to vector<16xi32>
    %add3A_11 = arith.addi %add3A_10, %iota3A : vector<16xi32>
    %shift_right_logical3A = arith.constant 7 : i32
    %shift_right_logical3A_12 = vector.broadcast %shift_right_logical3A : i32 to vector<16xi32>
    %shift_right_logical3A_13 = arith.shrui %add3A_11, %shift_right_logical3A_12 : vector<16xi32>
    %and3A = arith.constant 127 : i32
    %and3A_14 = vector.broadcast %and3A : i32 to vector<16xi32>
    %and3A_15 = arith.andi %add3A_11, %and3A_14 : vector<16xi32>
    %shift_right_logical3A_16 = arith.constant 3 : i32
    %shift_right_logical3A_17 = vector.broadcast %shift_right_logical3A_16 : i32 to vector<16xi32>
    %shift_right_logical3A_18 = arith.shrui %get3A_7, %shift_right_logical3A_17 : vector<16xi32>
    %and3A_19 = arith.constant 7 : i32
    %and3A_20 = vector.broadcast %and3A_19 : i32 to vector<16xi32>
    %and3A_21 = arith.andi %get3A_7, %and3A_20 : vector<16xi32>
    %mul3A_22 = arith.constant 32 : i32
    %mul3A_23 = vector.broadcast %mul3A_22 : i32 to vector<16xi32>
    %mul3A_24 = arith.muli %shift_right_logical3A_18, %mul3A_23 : vector<16xi32>
    %add3A_25 = arith.addi %mul3A_24, %shift_right_logical3A_13 : vector<16xi32>
    %mul3A_26 = arith.constant 1024 : i32
    %mul3A_27 = vector.broadcast %mul3A_26 : i32 to vector<16xi32>
    %mul3A_28 = arith.muli %add3A_25, %mul3A_27 : vector<16xi32>
    %mul3A_29 = arith.constant 128 : i32
    %mul3A_30 = vector.broadcast %mul3A_29 : i32 to vector<16xi32>
    %mul3A_31 = arith.muli %and3A_21, %mul3A_30 : vector<16xi32>
    %add3A_32 = arith.addi %mul3A_28, %mul3A_31 : vector<16xi32>
    %add3A_33 = arith.addi %add3A_32, %and3A_15 : vector<16xi32>
    %swap3A = arith.constant 0 : index
    %swap3A_34 = tpu.vector_load %arg7[%swap3A] {strides = array<i32>} : memref<128xi32, #tpu.memory_space<vmem>>, vector<16xi32>,
    tpu.vector_store %arg7[%swap3A], %add3A_33 {strides = array<i32>} : memref<128xi32, #tpu.memory_space<vmem>>, vector<16xi32>,
    %get3A_35 = arith.constant 16 : index
    %get3A_36 = tpu.vector_load %arg6[%get3A_35] {strides = array<i32>} : memref<128xi32, #tpu.memory_space<vmem>>, vector<16xi32>,
    %add3A_37 = arith.constant 16 : i32
    %add3A_38 = arith.addi %mul3A_2, %add3A_37 : i32
    %add3A_39 = vector.broadcast %add3A_38 : i32 to vector<16xi32>
    %add3A_40 = arith.addi %add3A_39, %iota3A : vector<16xi32>
    %shift_right_logical3A_41 = arith.constant 7 : i32
    %shift_right_logical3A_42 = vector.broadcast %shift_right_logical3A_41 : i32 to vector<16xi32>
    %shift_right_logical3A_43 = arith.shrui %add3A_40, %shift_right_logical3A_42 : vector<16xi32>
    %and3A_44 = arith.constant 127 : i32
    %and3A_45 = vector.broadcast %and3A_44 : i32 to vector<16xi32>
    %and3A_46 = arith.andi %add3A_40, %and3A_45 : vector<16xi32>
    %shift_right_logical3A_47 = arith.constant 3 : i32
    %shift_right_logical3A_48 = vector.broadcast %shift_right_logical3A_47 : i32 to vector<16xi32>
    %shift_right_logical3A_49 = arith.shrui %get3A_36, %shift_right_logical3A_48 : vector<16xi32>
    %and3A_50 = arith.constant 7 : i32
    %and3A_51 = vector.broadcast %and3A_50 : i32 to vector<16xi32>
    %and3A_52 = arith.andi %get3A_36, %and3A_51 : vector<16xi32>
    %mul3A_53 = arith.constant 32 : i32
    %mul3A_54 = vector.broadcast %mul3A_53 : i32 to vector<16xi32>
    %mul3A_55 = arith.muli %shift_right_logical3A_49, %mul3A_54 : vector<16xi32>
    %add3A_56 = arith.addi %mul3A_55, %shift_right_logical3A_43 : vector<16xi32>
    %mul3A_57 = arith.constant 1024 : i32
    %mul3A_58 = vector.broadcast %mul3A_57 : i32 to vector<16xi32>
    %mul3A_59 = arith.muli %add3A_56, %mul3A_58 : vector<16xi32>
    %mul3A_60 = arith.constant 128 : i32
    %mul3A_61 = vector.broadcast %mul3A_60 : i32 to vector<16xi32>
    %mul3A_62 = arith.muli %and3A_52, %mul3A_61 : vector<16xi32>
    %add3A_63 = arith.addi %mul3A_59, %mul3A_62 : vector<16xi32>
    %add3A_64 = arith.addi %add3A_63, %and3A_46 : vector<16xi32>
    %swap3A_65 = arith.constant 16 : index
    %swap3A_66 = tpu.vector_load %arg7[%swap3A_65] {strides = array<i32>} : memref<128xi32, #tpu.memory_space<vmem>>, vector<16xi32>,
    tpu.vector_store %arg7[%swap3A_65], %add3A_64 {strides = array<i32>} : memref<128xi32, #tpu.memory_space<vmem>>, vector<16xi32>,
    %get3A_67 = arith.constant 32 : index
    %get3A_68 = tpu.vector_load %arg6[%get3A_67] {strides = array<i32>} : memref<128xi32, #tpu.memory_space<vmem>>, vector<16xi32>,
    %add3A_69 = arith.constant 32 : i32
    %add3A_70 = arith.addi %mul3A_2, %add3A_69 : i32
    %add3A_71 = vector.broadcast %add3A_70 : i32 to vector<16xi32>
    %add3A_72 = arith.addi %add3A_71, %iota3A : vector<16xi32>
    %shift_right_logical3A_73 = arith.constant 7 : i32
    %shift_right_logical3A_74 = vector.broadcast %shift_right_logical3A_73 : i32 to vector<16xi32>
    %shift_right_logical3A_75 = arith.shrui %add3A_72, %shift_right_logical3A_74 : vector<16xi32>
    %and3A_76 = arith.constant 127 : i32
    %and3A_77 = vector.broadcast %and3A_76 : i32 to vector<16xi32>
    %and3A_78 = arith.andi %add3A_72, %and3A_77 : vector<16xi32>
    %shift_right_logical3A_79 = arith.constant 3 : i32
    %shift_right_logical3A_80 = vector.broadcast %shift_right_logical3A_79 : i32 to vector<16xi32>
    %shift_right_logical3A_81 = arith.shrui %get3A_68, %shift_right_logical3A_80 : vector<16xi32>
    %and3A_82 = arith.constant 7 : i32
    %and3A_83 = vector.broadcast %and3A_82 : i32 to vector<16xi32>
    %and3A_84 = arith.andi %get3A_68, %and3A_83 : vector<16xi32>
    %mul3A_85 = arith.constant 32 : i32
    %mul3A_86 = vector.broadcast %mul3A_85 : i32 to vector<16xi32>
    %mul3A_87 = arith.muli %shift_right_logical3A_81, %mul3A_86 : vector<16xi32>
    %add3A_88 = arith.addi %mul3A_87, %shift_right_logical3A_75 : vector<16xi32>
    %mul3A_89 = arith.constant 1024 : i32
    %mul3A_90 = vector.broadcast %mul3A_89 : i32 to vector<16xi32>
    %mul3A_91 = arith.muli %add3A_88, %mul3A_90 : vector<16xi32>
    %mul3A_92 = arith.constant 128 : i32
    %mul3A_93 = vector.broadcast %mul3A_92 : i32 to vector<16xi32>
    %mul3A_94 = arith.muli %and3A_84, %mul3A_93 : vector<16xi32>
    %add3A_95 = arith.addi %mul3A_91, %mul3A_94 : vector<16xi32>
    %add3A_96 = arith.addi %add3A_95, %and3A_78 : vector<16xi32>
    %swap3A_97 = arith.constant 32 : index
    %swap3A_98 = tpu.vector_load %arg7[%swap3A_97] {strides = array<i32>} : memref<128xi32, #tpu.memory_space<vmem>>, vector<16xi32>,
    tpu.vector_store %arg7[%swap3A_97], %add3A_96 {strides = array<i32>} : memref<128xi32, #tpu.memory_space<vmem>>, vector<16xi32>,
    %get3A_99 = arith.constant 48 : index
    %get3A_100 = tpu.vector_load %arg6[%get3A_99] {strides = array<i32>} : memref<128xi32, #tpu.memory_space<vmem>>, vector<16xi32>,
    %add3A_101 = arith.constant 48 : i32
    %add3A_102 = arith.addi %mul3A_2, %add3A_101 : i32
    %add3A_103 = vector.broadcast %add3A_102 : i32 to vector<16xi32>
    %add3A_104 = arith.addi %add3A_103, %iota3A : vector<16xi32>
    %shift_right_logical3A_105 = arith.constant 7 : i32
    %shift_right_logical3A_106 = vector.broadcast %shift_right_logical3A_105 : i32 to vector<16xi32>
    %shift_right_logical3A_107 = arith.shrui %add3A_104, %shift_right_logical3A_106 : vector<16xi32>
    %and3A_108 = arith.constant 127 : i32
    %and3A_109 = vector.broadcast %and3A_108 : i32 to vector<16xi32>
    %and3A_110 = arith.andi %add3A_104, %and3A_109 : vector<16xi32>
    %shift_right_logical3A_111 = arith.constant 3 : i32
    %shift_right_logical3A_112 = vector.broadcast %shift_right_logical3A_111 : i32 to vector<16xi32>
    %shift_right_logical3A_113 = arith.shrui %get3A_100, %shift_right_logical3A_112 : vector<16xi32>
    %and3A_114 = arith.constant 7 : i32
    %and3A_115 = vector.broadcast %and3A_114 : i32 to vector<16xi32>
    %and3A_116 = arith.andi %get3A_100, %and3A_115 : vector<16xi32>
    %mul3A_117 = arith.constant 32 : i32
    %mul3A_118 = vector.broadcast %mul3A_117 : i32 to vector<16xi32>
    %mul3A_119 = arith.muli %shift_right_logical3A_113, %mul3A_118 : vector<16xi32>
    %add3A_120 = arith.addi %mul3A_119, %shift_right_logical3A_107 : vector<16xi32>
    %mul3A_121 = arith.constant 1024 : i32
    %mul3A_122 = vector.broadcast %mul3A_121 : i32 to vector<16xi32>
    %mul3A_123 = arith.muli %add3A_120, %mul3A_122 : vector<16xi32>
    %mul3A_124 = arith.constant 128 : i32
    %mul3A_125 = vector.broadcast %mul3A_124 : i32 to vector<16xi32>
    %mul3A_126 = arith.muli %and3A_116, %mul3A_125 : vector<16xi32>
    %add3A_127 = arith.addi %mul3A_123, %mul3A_126 : vector<16xi32>
    %add3A_128 = arith.addi %add3A_127, %and3A_110 : vector<16xi32>
    %swap3A_129 = arith.constant 48 : index
    %swap3A_130 = tpu.vector_load %arg7[%swap3A_129] {strides = array<i32>} : memref<128xi32, #tpu.memory_space<vmem>>, vector<16xi32>,
    tpu.vector_store %arg7[%swap3A_129], %add3A_128 {strides = array<i32>} : memref<128xi32, #tpu.memory_space<vmem>>, vector<16xi32>,
    %get3A_131 = arith.constant 64 : index
    %get3A_132 = tpu.vector_load %arg6[%get3A_131] {strides = array<i32>} : memref<128xi32, #tpu.memory_space<vmem>>, vector<16xi32>,
    %add3A_133 = arith.constant 64 : i32
    %add3A_134 = arith.addi %mul3A_2, %add3A_133 : i32
    %add3A_135 = vector.broadcast %add3A_134 : i32 to vector<16xi32>
    %add3A_136 = arith.addi %add3A_135, %iota3A : vector<16xi32>
    %shift_right_logical3A_137 = arith.constant 7 : i32
    %shift_right_logical3A_138 = vector.broadcast %shift_right_logical3A_137 : i32 to vector<16xi32>
    %shift_right_logical3A_139 = arith.shrui %add3A_136, %shift_right_logical3A_138 : vector<16xi32>
    %and3A_140 = arith.constant 127 : i32
    %and3A_141 = vector.broadcast %and3A_140 : i32 to vector<16xi32>
    %and3A_142 = arith.andi %add3A_136, %and3A_141 : vector<16xi32>
    %shift_right_logical3A_143 = arith.constant 3 : i32
    %shift_right_logical3A_144 = vector.broadcast %shift_right_logical3A_143 : i32 to vector<16xi32>
    %shift_right_logical3A_145 = arith.shrui %get3A_132, %shift_right_logical3A_144 : vector<16xi32>
    %and3A_146 = arith.constant 7 : i32
    %and3A_147 = vector.broadcast %and3A_146 : i32 to vector<16xi32>
    %and3A_148 = arith.andi %get3A_132, %and3A_147 : vector<16xi32>
    %mul3A_149 = arith.constant 32 : i32
    %mul3A_150 = vector.broadcast %mul3A_149 : i32 to vector<16xi32>
    %mul3A_151 = arith.muli %shift_right_logical3A_145, %mul3A_150 : vector<16xi32>
    %add3A_152 = arith.addi %mul3A_151, %shift_right_logical3A_139 : vector<16xi32>
    %mul3A_153 = arith.constant 1024 : i32
    %mul3A_154 = vector.broadcast %mul3A_153 : i32 to vector<16xi32>
    %mul3A_155 = arith.muli %add3A_152, %mul3A_154 : vector<16xi32>
    %mul3A_156 = arith.constant 128 : i32
    %mul3A_157 = vector.broadcast %mul3A_156 : i32 to vector<16xi32>
    %mul3A_158 = arith.muli %and3A_148, %mul3A_157 : vector<16xi32>
    %add3A_159 = arith.addi %mul3A_155, %mul3A_158 : vector<16xi32>
    %add3A_160 = arith.addi %add3A_159, %and3A_142 : vector<16xi32>
    %swap3A_161 = arith.constant 64 : index
    %swap3A_162 = tpu.vector_load %arg7[%swap3A_161] {strides = array<i32>} : memref<128xi32, #tpu.memory_space<vmem>>, vector<16xi32>,
    tpu.vector_store %arg7[%swap3A_161], %add3A_160 {strides = array<i32>} : memref<128xi32, #tpu.memory_space<vmem>>, vector<16xi32>,
    %get3A_163 = arith.constant 80 : index
    %get3A_164 = tpu.vector_load %arg6[%get3A_163] {strides = array<i32>} : memref<128xi32, #tpu.memory_space<vmem>>, vector<16xi32>,
    %add3A_165 = arith.constant 80 : i32
    %add3A_166 = arith.addi %mul3A_2, %add3A_165 : i32
    %add3A_167 = vector.broadcast %add3A_166 : i32 to vector<16xi32>
    %add3A_168 = arith.addi %add3A_167, %iota3A : vector<16xi32>
    %shift_right_logical3A_169 = arith.constant 7 : i32
    %shift_right_logical3A_170 = vector.broadcast %shift_right_logical3A_169 : i32 to vector<16xi32>
    %shift_right_logical3A_171 = arith.shrui %add3A_168, %shift_right_logical3A_170 : vector<16xi32>
    %and3A_172 = arith.constant 127 : i32
    %and3A_173 = vector.broadcast %and3A_172 : i32 to vector<16xi32>
    %and3A_174 = arith.andi %add3A_168, %and3A_173 : vector<16xi32>
    %shift_right_logical3A_175 = arith.constant 3 : i32
    %shift_right_logical3A_176 = vector.broadcast %shift_right_logical3A_175 : i32 to vector<16xi32>
    %shift_right_logical3A_177 = arith.shrui %get3A_164, %shift_right_logical3A_176 : vector<16xi32>
    %and3A_178 = arith.constant 7 : i32
    %and3A_179 = vector.broadcast %and3A_178 : i32 to vector<16xi32>
    %and3A_180 = arith.andi %get3A_164, %and3A_179 : vector<16xi32>
    %mul3A_181 = arith.constant 32 : i32
    %mul3A_182 = vector.broadcast %mul3A_181 : i32 to vector<16xi32>
    %mul3A_183 = arith.muli %shift_right_logical3A_177, %mul3A_182 : vector<16xi32>
    %add3A_184 = arith.addi %mul3A_183, %shift_right_logical3A_171 : vector<16xi32>
    %mul3A_185 = arith.constant 1024 : i32
    %mul3A_186 = vector.broadcast %mul3A_185 : i32 to vector<16xi32>
    %mul3A_187 = arith.muli %add3A_184, %mul3A_186 : vector<16xi32>
    %mul3A_188 = arith.constant 128 : i32
    %mul3A_189 = vector.broadcast %mul3A_188 : i32 to vector<16xi32>
    %mul3A_190 = arith.muli %and3A_180, %mul3A_189 : vector<16xi32>
    %add3A_191 = arith.addi %mul3A_187, %mul3A_190 : vector<16xi32>
    %add3A_192 = arith.addi %add3A_191, %and3A_174 : vector<16xi32>
    %swap3A_193 = arith.constant 80 : index
    %swap3A_194 = tpu.vector_load %arg7[%swap3A_193] {strides = array<i32>} : memref<128xi32, #tpu.memory_space<vmem>>, vector<16xi32>,
    tpu.vector_store %arg7[%swap3A_193], %add3A_192 {strides = array<i32>} : memref<128xi32, #tpu.memory_space<vmem>>, vector<16xi32>,
    %get3A_195 = arith.constant 96 : index
    %get3A_196 = tpu.vector_load %arg6[%get3A_195] {strides = array<i32>} : memref<128xi32, #tpu.memory_space<vmem>>, vector<16xi32>,
    %add3A_197 = arith.constant 96 : i32
    %add3A_198 = arith.addi %mul3A_2, %add3A_197 : i32
    %add3A_199 = vector.broadcast %add3A_198 : i32 to vector<16xi32>
    %add3A_200 = arith.addi %add3A_199, %iota3A : vector<16xi32>
    %shift_right_logical3A_201 = arith.constant 7 : i32
    %shift_right_logical3A_202 = vector.broadcast %shift_right_logical3A_201 : i32 to vector<16xi32>
    %shift_right_logical3A_203 = arith.shrui %add3A_200, %shift_right_logical3A_202 : vector<16xi32>
    %and3A_204 = arith.constant 127 : i32
    %and3A_205 = vector.broadcast %and3A_204 : i32 to vector<16xi32>
    %and3A_206 = arith.andi %add3A_200, %and3A_205 : vector<16xi32>
    %shift_right_logical3A_207 = arith.constant 3 : i32
    %shift_right_logical3A_208 = vector.broadcast %shift_right_logical3A_207 : i32 to vector<16xi32>
    %shift_right_logical3A_209 = arith.shrui %get3A_196, %shift_right_logical3A_208 : vector<16xi32>
    %and3A_210 = arith.constant 7 : i32
    %and3A_211 = vector.broadcast %and3A_210 : i32 to vector<16xi32>
    %and3A_212 = arith.andi %get3A_196, %and3A_211 : vector<16xi32>
    %mul3A_213 = arith.constant 32 : i32
    %mul3A_214 = vector.broadcast %mul3A_213 : i32 to vector<16xi32>
    %mul3A_215 = arith.muli %shift_right_logical3A_209, %mul3A_214 : vector<16xi32>
    %add3A_216 = arith.addi %mul3A_215, %shift_right_logical3A_203 : vector<16xi32>
    %mul3A_217 = arith.constant 1024 : i32
    %mul3A_218 = vector.broadcast %mul3A_217 : i32 to vector<16xi32>
    %mul3A_219 = arith.muli %add3A_216, %mul3A_218 : vector<16xi32>
    %mul3A_220 = arith.constant 128 : i32
    %mul3A_221 = vector.broadcast %mul3A_220 : i32 to vector<16xi32>
    %mul3A_222 = arith.muli %and3A_212, %mul3A_221 : vector<16xi32>
    %add3A_223 = arith.addi %mul3A_219, %mul3A_222 : vector<16xi32>
    %add3A_224 = arith.addi %add3A_223, %and3A_206 : vector<16xi32>
    %swap3A_225 = arith.constant 96 : index
    %swap3A_226 = tpu.vector_load %arg7[%swap3A_225] {strides = array<i32>} : memref<128xi32, #tpu.memory_space<vmem>>, vector<16xi32>,
    tpu.vector_store %arg7[%swap3A_225], %add3A_224 {strides = array<i32>} : memref<128xi32, #tpu.memory_space<vmem>>, vector<16xi32>,
    %get3A_227 = arith.constant 112 : index
    %get3A_228 = tpu.vector_load %arg6[%get3A_227] {strides = array<i32>} : memref<128xi32, #tpu.memory_space<vmem>>, vector<16xi32>,
    %add3A_229 = arith.constant 112 : i32
    %add3A_230 = arith.addi %mul3A_2, %add3A_229 : i32
    %add3A_231 = vector.broadcast %add3A_230 : i32 to vector<16xi32>
    %add3A_232 = arith.addi %add3A_231, %iota3A : vector<16xi32>
    %shift_right_logical3A_233 = arith.constant 7 : i32
    %shift_right_logical3A_234 = vector.broadcast %shift_right_logical3A_233 : i32 to vector<16xi32>
    %shift_right_logical3A_235 = arith.shrui %add3A_232, %shift_right_logical3A_234 : vector<16xi32>
    %and3A_236 = arith.constant 127 : i32
    %and3A_237 = vector.broadcast %and3A_236 : i32 to vector<16xi32>
    %and3A_238 = arith.andi %add3A_232, %and3A_237 : vector<16xi32>
    %shift_right_logical3A_239 = arith.constant 3 : i32
    %shift_right_logical3A_240 = vector.broadcast %shift_right_logical3A_239 : i32 to vector<16xi32>
    %shift_right_logical3A_241 = arith.shrui %get3A_228, %shift_right_logical3A_240 : vector<16xi32>
    %and3A_242 = arith.constant 7 : i32
    %and3A_243 = vector.broadcast %and3A_242 : i32 to vector<16xi32>
    %and3A_244 = arith.andi %get3A_228, %and3A_243 : vector<16xi32>
    %mul3A_245 = arith.constant 32 : i32
    %mul3A_246 = vector.broadcast %mul3A_245 : i32 to vector<16xi32>
    %mul3A_247 = arith.muli %shift_right_logical3A_241, %mul3A_246 : vector<16xi32>
    %add3A_248 = arith.addi %mul3A_247, %shift_right_logical3A_235 : vector<16xi32>
    %mul3A_249 = arith.constant 1024 : i32
    %mul3A_250 = vector.broadcast %mul3A_249 : i32 to vector<16xi32>
    %mul3A_251 = arith.muli %add3A_248, %mul3A_250 : vector<16xi32>
    %mul3A_252 = arith.constant 128 : i32
    %mul3A_253 = vector.broadcast %mul3A_252 : i32 to vector<16xi32>
    %mul3A_254 = arith.muli %and3A_244, %mul3A_253 : vector<16xi32>
    %add3A_255 = arith.addi %mul3A_251, %mul3A_254 : vector<16xi32>
    %add3A_256 = arith.addi %add3A_255, %and3A_238 : vector<16xi32>
    %swap3A_257 = arith.constant 112 : index
    %swap3A_258 = tpu.vector_load %arg7[%swap3A_257] {strides = array<i32>} : memref<128xi32, #tpu.memory_space<vmem>>, vector<16xi32>,
    tpu.vector_store %arg7[%swap3A_257], %add3A_256 {strides = array<i32>} : memref<128xi32, #tpu.memory_space<vmem>>, vector<16xi32>,
    %dma_start3A_259 = arith.constant 0 : i32
    %dma_start3A_260 = tpu.memref_slice %arg2[%dma_start3A_259] : memref<409600000xf32, #tpu.memory_space<hbm>> -> memref<409600000xf32, #tpu.memory_space<hbm>>
    tpu.enqueue_indirect_dma source(%dma_start3A_260 : memref<409600000xf32, #tpu.memory_space<hbm>>) target(%arg9 : memref<128xf32, #tpu.memory_space<vmem>>) offsets(%arg7 : memref<128xi32, #tpu.memory_space<vmem>>) semaphore(%arg11 : memref<!tpu.dma_semaphore, #tpu.memory_space<semaphore_mem>>)
    %dma_wait3A_261 = tpu.memref_slice %arg4[%mul3A_2] : memref<4096xf32, #tpu.memory_space<hbm>> -> memref<128xf32, #tpu.memory_space<hbm>>
    %dma_wait3A_262 = tpu.memref_slice %arg4[%mul3A_2] : memref<4096xf32, #tpu.memory_space<hbm>> -> memref<128xf32, #tpu.memory_space<hbm>>
    tpu.wait_dma2 semaphore(%arg12 : memref<!tpu.dma_semaphore, #tpu.memory_space<semaphore_mem>>) src(%dma_wait3A_262 : memref<128xf32, #tpu.memory_space<hbm>>) dst(%arg8 : memref<128xf32, #tpu.memory_space<vmem>>)
    %dma_wait3A_263 = arith.constant 0 : i32
    %dma_wait3A_264 = tpu.memref_slice %arg2[%dma_wait3A_263] : memref<409600000xf32, #tpu.memory_space<hbm>> -> memref<409600000xf32, #tpu.memory_space<hbm>>
    tpu.wait_indirect_dma semaphore(%arg11 : memref<!tpu.dma_semaphore, #tpu.memory_space<semaphore_mem>>) src(%dma_wait3A_264 : memref<409600000xf32, #tpu.memory_space<hbm>>) dst(%arg9 : memref<128xf32, #tpu.memory_space<vmem>>)
    %broadcast_in_dim3A = arith.constant 0.000000e+00 : f32
    %broadcast_in_dim3A_265 = vector.broadcast %broadcast_in_dim3A : f32 to vector<16xf32>
    %get3A_266 = arith.constant 0 : index
    %get3A_267 = tpu.vector_load %arg9[%get3A_266] {strides = array<i32>} : memref<128xf32, #tpu.memory_space<vmem>>, vector<16xf32>,
    %get3A_268 = arith.constant 0 : index
    %get3A_269 = tpu.vector_load %arg8[%get3A_268] {strides = array<i32>} : memref<128xf32, #tpu.memory_space<vmem>>, vector<16xf32>,
    %mul3A_270 = arith.mulf %get3A_267, %get3A_269 : vector<16xf32>
    %add3A_271 = arith.addf %broadcast_in_dim3A_265, %mul3A_270 : vector<16xf32>
    %get3A_272 = arith.constant 16 : index
    %get3A_273 = tpu.vector_load %arg9[%get3A_272] {strides = array<i32>} : memref<128xf32, #tpu.memory_space<vmem>>, vector<16xf32>,
    %get3A_274 = arith.constant 16 : index
    %get3A_275 = tpu.vector_load %arg8[%get3A_274] {strides = array<i32>} : memref<128xf32, #tpu.memory_space<vmem>>, vector<16xf32>,
    %mul3A_276 = arith.mulf %get3A_273, %get3A_275 : vector<16xf32>
    %add3A_277 = arith.addf %add3A_271, %mul3A_276 : vector<16xf32>
    %get3A_278 = arith.constant 32 : index
    %get3A_279 = tpu.vector_load %arg9[%get3A_278] {strides = array<i32>} : memref<128xf32, #tpu.memory_space<vmem>>, vector<16xf32>,
    %get3A_280 = arith.constant 32 : index
    %get3A_281 = tpu.vector_load %arg8[%get3A_280] {strides = array<i32>} : memref<128xf32, #tpu.memory_space<vmem>>, vector<16xf32>,
    %mul3A_282 = arith.mulf %get3A_279, %get3A_281 : vector<16xf32>
    %add3A_283 = arith.addf %add3A_277, %mul3A_282 : vector<16xf32>
    %get3A_284 = arith.constant 48 : index
    %get3A_285 = tpu.vector_load %arg9[%get3A_284] {strides = array<i32>} : memref<128xf32, #tpu.memory_space<vmem>>, vector<16xf32>,
    %get3A_286 = arith.constant 48 : index
    %get3A_287 = tpu.vector_load %arg8[%get3A_286] {strides = array<i32>} : memref<128xf32, #tpu.memory_space<vmem>>, vector<16xf32>,
    %mul3A_288 = arith.mulf %get3A_285, %get3A_287 : vector<16xf32>
    %add3A_289 = arith.addf %add3A_283, %mul3A_288 : vector<16xf32>
    %get3A_290 = arith.constant 64 : index
    %get3A_291 = tpu.vector_load %arg9[%get3A_290] {strides = array<i32>} : memref<128xf32, #tpu.memory_space<vmem>>, vector<16xf32>,
    %get3A_292 = arith.constant 64 : index
    %get3A_293 = tpu.vector_load %arg8[%get3A_292] {strides = array<i32>} : memref<128xf32, #tpu.memory_space<vmem>>, vector<16xf32>,
    %mul3A_294 = arith.mulf %get3A_291, %get3A_293 : vector<16xf32>
    %add3A_295 = arith.addf %add3A_289, %mul3A_294 : vector<16xf32>
    %get3A_296 = arith.constant 80 : index
    %get3A_297 = tpu.vector_load %arg9[%get3A_296] {strides = array<i32>} : memref<128xf32, #tpu.memory_space<vmem>>, vector<16xf32>,
    %get3A_298 = arith.constant 80 : index
    %get3A_299 = tpu.vector_load %arg8[%get3A_298] {strides = array<i32>} : memref<128xf32, #tpu.memory_space<vmem>>, vector<16xf32>,
    %mul3A_300 = arith.mulf %get3A_297, %get3A_299 : vector<16xf32>
    %add3A_301 = arith.addf %add3A_295, %mul3A_300 : vector<16xf32>
    %get3A_302 = arith.constant 96 : index
    %get3A_303 = tpu.vector_load %arg9[%get3A_302] {strides = array<i32>} : memref<128xf32, #tpu.memory_space<vmem>>, vector<16xf32>,
    %get3A_304 = arith.constant 96 : index
    %get3A_305 = tpu.vector_load %arg8[%get3A_304] {strides = array<i32>} : memref<128xf32, #tpu.memory_space<vmem>>, vector<16xf32>,
    %mul3A_306 = arith.mulf %get3A_303, %get3A_305 : vector<16xf32>
    %add3A_307 = arith.addf %add3A_301, %mul3A_306 : vector<16xf32>
    %get3A_308 = arith.constant 112 : index
    %get3A_309 = tpu.vector_load %arg9[%get3A_308] {strides = array<i32>} : memref<128xf32, #tpu.memory_space<vmem>>, vector<16xf32>,
    %get3A_310 = arith.constant 112 : index
    %get3A_311 = tpu.vector_load %arg8[%get3A_310] {strides = array<i32>} : memref<128xf32, #tpu.memory_space<vmem>>, vector<16xf32>,
    %mul3A_312 = arith.mulf %get3A_309, %get3A_311 : vector<16xf32>
    %add3A_313 = arith.addf %add3A_307, %mul3A_312 : vector<16xf32>
    %neg3A = arith.constant 0.000000e+00 : f32
    %neg3A_314 = vector.broadcast %neg3A : f32 to vector<16xf32>
    %neg3A_315 = arith.subf %neg3A_314, %add3A_313 : vector<16xf32>
    %swap3A_316 = arith.constant 0 : index
    %swap3A_317 = tpu.vector_load %arg10[%swap3A_316] {strides = array<i32>} : memref<16xf32, #tpu.memory_space<vmem>>, vector<16xf32>,
    tpu.vector_store %arg10[%swap3A_316], %neg3A_315 {strides = array<i32>} : memref<16xf32, #tpu.memory_space<vmem>>, vector<16xf32>,
    %mul3A_318 = arith.constant 16 : i32
    %mul3A_319 = arith.muli %add3A, %mul3A_318 : i32
    "tpu.region"() ({
      %run_scoped3A = tpu.sem_alloc : memref<!tpu.dma_semaphore, #tpu.memory_space<semaphore_mem>>
      %dma_start3A_320 = tpu.memref_slice %arg5[%mul3A_319] : memref<512xf32, #tpu.memory_space<hbm>> -> memref<16xf32, #tpu.memory_space<hbm>>
      %dma_start3A_321 = tpu.memref_slice %arg5[%mul3A_319] : memref<512xf32, #tpu.memory_space<hbm>> -> memref<16xf32, #tpu.memory_space<hbm>>
      tpu.enqueue_dma source(%arg10 : memref<16xf32, #tpu.memory_space<vmem>>) target(%dma_start3A_321 : memref<16xf32, #tpu.memory_space<hbm>>) target_semaphore(%run_scoped3A : memref<!tpu.dma_semaphore, #tpu.memory_space<semaphore_mem>>)
      %dma_wait3A_322 = tpu.memref_slice %arg5[%mul3A_319] : memref<512xf32, #tpu.memory_space<hbm>> -> memref<16xf32, #tpu.memory_space<hbm>>
      %dma_wait3A_323 = tpu.memref_slice %arg5[%mul3A_319] : memref<512xf32, #tpu.memory_space<hbm>> -> memref<16xf32, #tpu.memory_space<hbm>>
      tpu.wait_dma2 semaphore(%run_scoped3A : memref<!tpu.dma_semaphore, #tpu.memory_space<semaphore_mem>>) src(%arg10 : memref<16xf32, #tpu.memory_space<vmem>>) dst(%dma_wait3A_323 : memref<16xf32, #tpu.memory_space<hbm>>)
      tpu.yield
    }) : () -> ()
    return
  }
}

</mosaic_0001>

<sc_bundles>
// kernel: _ganloss.3.cloned.1.call-start
scs
__scs_entry_jumppad:
0x0: {  	(pc) =	sbr.rel $0x88, $3  }
0x1: {  	(tag) =	ssettag $0x0;
	lr =	simm.s32 $0x1  }
0x2: {  	[smem:$0x3F9E] =	sst lr;
	_ =	strace $0xD0000000  }
0x3: {  	_ = 	snop  }
0x4: {  	_ = 	snop  }
0x5: {  	_ = 	snop  }
0x6: {  	_ = 	snop  }
0x7: {  	_ = 	snop  }
__scs_overlays_trampoline_lowered:
0x8: {  	[smem:$0x3FAD] =	sst s0  }
0x9: {  	[smem:$0x3FAE] =	sst s1  }
0xa: {  	[smem:$0x3FAF] =	sst s2  }
0xb: {  	[smem:$0x3FB0] =	sst s3  }
0xc: {  	[smem:$0x3FB1] =	sst s4  }
0xd: {  	[smem:$0x3FB2] =	sst s5  }
0xe: {  	[smem:$0x3FB3] =	sst s6  }
0xf: {  	[smem:$0x3FB4] =	sst s7  }
0x10: {  	[smem:$0x3FB5] =	sst s8  }
0x11: {  	[smem:$0x3FB6] =	sst s9;
	s0 =	simm.s32 @!p0 $0x0  }
0x12: {  	s1 =	sld [smem:$0x3F9C];
	s0 =	simm.s32 @p0 $0x1  }
0x13: {  	[smem:$0x3FB7] =	sst s0;
	s0 =	simm.s32 @!p1 $0x0  }
0x14: {  	s2 =	sld [smem:$0x3F9B];
	s0 =	simm.s32 @p1 $0x1  }
0x15: {  	[smem:$0x3FB8] =	sst s0;
	s0 =	simm.s32 @!p2 $0x0  }
0x16: {  	s3 =	sld [smem:$0x3FDB];
	s0 =	simm.s32 @p2 $0x1  }
0x17: {  	s4 =	simm.s32 $0x1BF5;
	[smem:$0x3FBA] =	sst s0  }
0x18: {  	s0 =	sld [smem:$0x3F9D];
	_ =	swait.ge [sflag:s4], $0x0  }
0x19: {  	s7 =	sld [smem:$0x3F9E]  }
0x1a: {  	s8 =	sadd.s32 $0xFFFFE003, lr  }
0x1b: {  	s9 =	sadd.s32 $0xFFFFFEF7, lr;
	s5 =	simm.s32 $0xFFFFFFFF;
	p2 =	slt.u32 s8, $0xFFFFF086  }
0x1c: {  	p1 =	slt.u32 s9, $0xF7A;
	s5 =	simm.s32 @!p2 $0x0  }
0x1d: {  	s5 =	simm.s32 @p1 $0x1;
	p0 =	seq.s32 s7, s2  }
0x1e: {  	s7 =	smul.u32 @!p0 $0xF7A, s2;
	p2 =	seq.s32 @!p0 s5, $0x0  }
0x1f: {  	s9 =	smul.u32 $0xF7A, s1;
	s8 =	simm.s32 @!p0 $0x1BF5;
	p2 =	por !p2, p0  }
0x20: {  	[sflag:s8] =	ssyncset.s32 @!p0 $0xFFFFF086;
	s6 =	sadd.s32 @!p0 s3, s7;
	s7 =	simm.s32 @!p0 $0x108  }
0x21: {  	s3 =	sadd.s32 s3, s9;
	s6 =	sadd.s32 @!p0 $0x88, s6;
	s7 =	simm.s32 @p2 $0x1082  }
0x22: {  	[simem:s7], [sflag:s8] =	dma.local @!p0 [hbm:s6], $0xF7A  }
0x23: {  	s9 =	sor.u32 $0xD0000000, s2;
	s6 =	simm.s32 $0x108;
	_ =	swait.ge @!p0 [sflag:s8], $0x0  }
0x24: {  	s3 =	sadd.s32 $0x88, s3;
	s6 =	simm.s32 @!p1 $0x1082;
	[sflag:s4] =	ssyncset.s32 $0xFFFFF086  }
0x25: {  	[simem:s6], [sflag:s4] =	dma.local [hbm:s3], $0xF7A  }
0x26: {  	[smem:$0x3F9E] =	sst s1;
	(tag) =	ssettag s2;
	_ =	strace s9  }
0x27: {  	s1 =	sld [smem:$0x3FAE]  }
0x28: {  	s2 =	sld [smem:$0x3FAF]  }
0x29: {  	s4 =	sld [smem:$0x3FB1]  }
0x2a: {  	p0 =	seq.s32 s5, $0x0;
	s5 =	sld [smem:$0x3FB2]  }
0x2b: {  	s6 =	sld [smem:$0x3FB3]  }
0x2c: {  	s7 =	sld [smem:$0x3FB4]  }
0x2d: {  	s3 =	simm.s32 $0x108;
	s8 =	sld [smem:$0x3FB5]  }
0x2e: {  	s3 =	simm.s32 @!p0 $0x1082;
	s9 =	sld [smem:$0x3FB6]  }
0x2f: {  	lr =	sadd.s32 s0, s3;
	s0 =	sld [smem:$0x3FAD]  }
0x30: {  	s3 =	sld [smem:$0x3FB0]  }
0x31: {  	[smem:$0x3FB9] =	sst s10  }
0x32: {  	s10 =	sld [smem:$0x3FB7];
	_ =	sdelay $0x3  }
0x33: {  	p0 =	seq.s32 s10, $0x1;
	s10 =	sld [smem:$0x3FB9];
	_ =	sdelay $0x3  }
0x34: {  	[smem:$0x3FB9] =	sst s10  }
0x35: {  	s10 =	sld [smem:$0x3FB8];
	_ =	sdelay $0x3  }
0x36: {  	p1 =	seq.s32 s10, $0x1;
	s10 =	sld [smem:$0x3FB9];
	_ =	sdelay $0x3  }
0x37: {  	[smem:$0x3FB9] =	sst s10  }
0x38: {  	s10 =	sld [smem:$0x3FBA]  }
0x39: {  	_ = 	snop;
	(pc) =	sbr.ind lr, $3  }
0x3a: {  	_ = 	snop  }
0x3b: {  	_ = 	snop  }
0x3c: {  	p2 =	seq.s32 s10, $0x1;
	s10 =	sld [smem:$0x3FB9]  }
0x3d: {  	_ =	shalt  }
0x3e: {  	_ =	shalt  }
0x3f: {  	_ =	shalt  }
0x40: {  	_ =	shalt  }
0x41: {  	_ =	shalt  }
0x42: {  	_ =	shalt  }
0x43: {  	_ =	shalt  }
0x44: {  	_ =	shalt  }
0x45: {  	_ =	shalt  }
0x46: {  	_ =	shalt  }
0x47: {  	_ =	shalt  }
0x48: {  	_ =	shalt  }
0x49: {  	_ =	shalt  }
0x4a: {  	_ =	shalt  }
0x4b: {  	_ =	shalt  }
0x4c: {  	_ =	shalt  }
0x4d: {  	_ =	shalt  }
0x4e: {  	_ =	shalt  }
0x4f: {  	_ =	shalt  }
0x50: {  	_ =	shalt  }
0x51: {  	_ =	shalt  }
0x52: {  	_ =	shalt  }
0x53: {  	_ =	shalt  }
0x54: {  	_ =	shalt  }
0x55: {  	_ =	shalt  }
0x56: {  	_ =	shalt  }
0x57: {  	_ =	shalt  }
0x58: {  	_ =	shalt  }
0x59: {  	_ =	shalt  }
0x5a: {  	_ =	shalt  }
0x5b: {  	_ =	shalt  }
0x5c: {  	_ =	shalt  }
0x5d: {  	_ =	shalt  }
0x5e: {  	_ =	shalt  }
0x5f: {  	_ =	shalt  }
0x60: {  	_ =	shalt  }
0x61: {  	_ =	shalt  }
0x62: {  	_ =	shalt  }
0x63: {  	_ =	shalt  }
0x64: {  	_ =	shalt  }
0x65: {  	_ =	shalt  }
0x66: {  	_ =	shalt  }
0x67: {  	_ =	shalt  }
0x68: {  	_ =	shalt  }
0x69: {  	_ =	shalt  }
0x6a: {  	_ =	shalt  }
0x6b: {  	_ =	shalt  }
0x6c: {  	_ =	shalt  }
0x6d: {  	_ =	shalt  }
0x6e: {  	_ =	shalt  }
0x6f: {  	_ =	shalt  }
0x70: {  	_ =	shalt  }
0x71: {  	_ =	shalt  }
0x72: {  	_ =	shalt  }
0x73: {  	_ =	shalt  }
0x74: {  	_ =	shalt  }
0x75: {  	_ =	shalt  }
0x76: {  	_ =	shalt  }
0x77: {  	_ =	shalt  }
0x78: {  	_ =	shalt  }
0x79: {  	_ =	shalt  }
0x7a: {  	_ =	shalt  }
0x7b: {  	_ =	shalt  }
0x7c: {  	_ =	shalt  }
0x7d: {  	_ =	shalt  }
0x7e: {  	_ =	shalt  }
0x7f: {  	_ =	shalt  }
0x80: {  	_ =	shalt  }
0x81: {  	_ =	shalt  }
0x82: {  	_ =	shalt  }
0x83: {  	_ =	shalt  }
0x84: {  	_ =	shalt  }
0x85: {  	_ =	shalt  }
0x86: {  	_ =	shalt  }
0x87: {  	_ =	shalt  }
.Lfunc_end0:
.L_simem_size_0:
called_computation_lowered:
.L_overlay_start_0:
0x88: {  	s2 =	sld [smem:$0x3FD9]  }
0x89: {  	s3 =	sld [smem:$0x3FFE];
	_ =	sdelay $0x1  }
0x8a: {  	s1 =	srdreg.scid  }
0x8b: {  	s0 =	sand.u32 $0x1, s1  }
0x8c: {  	s17 =	sshll.u32 s0, $0xA;
	s2 =	sadd.s32 s3, s2  }
0x8d: {  	s2 =	sadd.s32 s2, s17  }
0x8e: {  	[smem:$0x3FC5] =	sst s2  }
0x8f: {  	_ = 	snop  }
0x90: {  	s2 =	sld [smem:$0x3FC9]  }
0x91: {  	s18 =	sld [smem:$0x3FC8]  }
0x92: {  	s4 =	sld [smem:$0x3FC7];
	(tm) =	ssettm $0x1  }
0x93: {  	s5 =	sld [smem:$0x3FFB];
	_ =	sdelay $0x3  }
0x94: {  	_ =	strace s5  }
0x95: {  	s5 =	sld [smem:$0x3FFC];
	_ =	sdelay $0x3  }
0x96: {  	_ =	strace s5  }
0x97: {  	s5 =	sld [smem:$0x3FFD];
	_ =	sdelay $0x3  }
0x98: {  	_ =	strace s5  }
0x99: {  	_ =	strace $0x8FFFFFFF  }
0x9a: {  	s19 =	sld [smem:$0x3FDB];
	_ =	sdelay $0x1  }
0x9b: {  	s6 =	simm.s32 $_scs_section_size  }
0x9c: {  	s7 =	simm.s32 $_size__tile_overlayer_lowered;
	s8 =	simm.s32 $_tile_overlayer_lowered  }
0x9d: {  	s22 =	simm.s32 $0x1BFF;
	s21 =	sshll.u32 s8, $0x1;
	s5 =	sadd.s32 s6, s19  }
0x9e: {  	s9 =	simm.s32 $0x0;
	s20 =	sshll.u32 s7, $0x1;
	s7 =	sadd.s32 s21, s5  }
0x9f: {  	[timem:s9], [sflag:s22] =	dma.local [hbm:s7], s20  }
0xa0: {  	_ =	swait.ge [sflag:s22], s20  }
0xa1: {  	s6 =	ssub.s32 $0x0, s20;
	[sflag:s22] =	ssyncset.done $0x0  }
0xa2: {  	[sflag:s22] =	ssyncadd.s32 s6;
	_ =	sdelay $0x1  }
0xa3: {  	s23 =	simm.s32 $0x1B8B  }
0xa4: {  	_ =	swait.ge [sflag:s23], $0x1  }
0xa5: {  	[sflag:s23] =	ssyncset.done $0x0  }
0xa6: {  	s25 =	simm.s32 $0x1B8E;
	s24 =	sld [smem:$0x3FFE];
	[sflag:s23] =	ssyncadd.s32 $0xFFFFFFFF  }
0xa7: {  	s26 =	simm.s32 $execute0_lowered;
	[smem:$0x3FD2] =	sst s25  }
0xa8: {  	s7 =	sshll.u32 s26, $0x1;
	_ =	strace $0x80000046;
	[dreg:$0x1] =	wrdreg $0xFFFFFFFF  }
0xa9: {  	s28 =	simm.s32 $_size_execute0_lowered;
	s5 =	sadd.s32 s5, s7;
	[dreg:$0x0] =	wrdreg $0x0  }
0xaa: {  	s7 =	sshll.u32 s28, $0x1;
	[dreg:$0x2] =	wrdreg s5  }
0xab: {  	[dreg:$0x3] =	wrdreg s7  }
0xac: {  	[dreg:$0x4] =	wrdreg $0xC0  }
0xad: {  	_ =	task [dreg:s9], $0x5FFFF  }
0xae: {  	[dreg:$0x1] =	wrdreg $0xFFFFFFFF  }
0xaf: {  	[dreg:$0x0] =	wrdreg $0x60  }
0xb0: {  	[dreg:$0x2] =	wrdreg s2  }
0xb1: {  	[dreg:$0x3] =	wrdreg s18  }
0xb2: {  	[dreg:$0x4] =	wrdreg s4  }
0xb3: {  	[dreg:$0x5] =	wrdreg s24  }
0xb4: {  	[dreg:$0x6] =	wrdreg $0x9  }
0xb5: {  	_ =	task.clear_ibuf [dreg:s9], $0x7FFFF;
	_ =	strace $0x90000046  }
0xb6: {  	s29 =	simm.s32 $0x9;
	_ =	strace $0x80000048  }
0xb7: {  	_ =	swait.ge [sflag:s29], $0x1  }
0xb8: {  	[sflag:s29] =	ssyncadd.s32 $0xFFFFFFFF  }
0xb9: {  	_ =	strace $0x90000048  }
0xba: {  	_ =	sfence  }
0xbb: {  	s30 =	sld [smem:$0x0];
	_ =	sdelay $0x2  }
0xbc: {  	s31 =	sshll.u32 s1, $0xD;
	s1 =	sshrl.u32 s1, $0x2  }
0xbd: {  	s3 =	sand.u32 $0x4000, s31;
	s1 =	sadd.s32 s1, s30  }
0xbe: {  	s0 =	sor.u32 s3, s0;
	s1 =	sshll.u32 s1, $0x11  }
0xbf: {  	s0 =	sor.u32 s1, s0  }
0xc0: {  	s0 =	sadd.s32 $0x8F2B, s0  }
0xc1: {  	[sflag:s0] =	ssyncadd.remote.s32 $0x1  }
0xc2: {  	_ =	sfence.sel $0xFFFF  }
0xc3: {  	[dreg:$0x0] =	wrdreg $0xFFFFFFFF;
	(pc) =	sbr.abs _section_cstart, $3  }
0xc4: {  	[dreg:$0x1] =	wrdreg $0xFFFFFFFF  }
0xc5: {  	_ =	task.clear_ibuf [dreg:s9], $0x2FFFF;
	_ =	strace $0x9FFFFFFF  }
0xc6: {  	(tm) =	ssettm $0x7FFFFFFF  }
0xc7: {  	_ =	shalt  }
tec
execute0_lowered:
.L_overlay_start_1:
0x0: {  	(tag) =	ssettag $0x1  }
0x1: {  	s3 =	rddreg [dreg:$0x0]  }
0x2: {  	s4 =	rddreg [dreg:$0x1]  }
0x3: {  	s1 =	srdreg.scid;
	s0 =	stileid.u32  }
0x4: {  	s5 =	rddreg [dreg:$0x2];
	s10 =	sand.u32 $0x1, s1;
	s6 =	sshll.u32 s0, $0x1  }
0x5: {  	s8 =	rddreg [dreg:$0x3];
	s2 =	simm.s32 $0x0;
	s9 =	sor.u32 s10, s6  }
0x6: {  	[smem:$0x7FF] =	sst s2;
	s6 =	sshll.u32 s9, $0x4  }
0x7: {  	s1 =	rddreg [dreg:$0x4];
	_ =	strace $0x80000047;
	s4 =	sadd.s32 s4, s6  }
0x8: {  	[tilespmem:s2], [sflag:$0x1] =	stream.linear.gather [hbm4b:s4+s2], $0x80, $0x38;
	[tilespmem:$0x280] =	vst v63  }
0x9: {  	s7 =	simm.s32 $0x1;
	s5 =	sadd.s32 s5, s6;
	s6 =	simm.s32 $0x100  }
0xa: {  	[tilespmem:s6], [sflag:$0x2] =	stream.linear.gather [hbm4b:s5+s2], $0x80, $0x38;
	[tilespmem:$0x280] =	vst v63  }
0xb: {  	_ =	swait.ge [sflag:s7], $0x80  }
0xc: {  	[sflag:s7] =	ssyncset.done $0x0  }
0xd: {  	[sflag:s7] =	ssyncadd.s32 $0xFFFFFF80  }
0xe: {  	v8 =	vld [tilespmem:$0x0]  }
0xf: {  	v9 =	vld [tilespmem:$0x70]  }
0x10: {  	s11 =	sshll.u32 s9, $0x7;
	v10 =	vld [tilespmem:$0x20]  }
0x11: {  	v0 =	vmov s11;
	v11 =	vld [tilespmem:$0x10]  }
0x12: {  	v1 =	vshrl.u32 v0, $0x7;
	v0 =	vlaneseq.u32;
	v12 =	vld [tilespmem:$0x30]  }
0x13: {  	v1 =	vbroadcast v1, $0x0;
	v2 =	vor.u32 $0x10, v0;
	v13 =	vld [tilespmem:$0x60]  }
0x14: {  	v3 =	vor.u32 $0x30, v0;
	v4 =	vor.u32 $0x40, v0;
	v5 =	vor.u32 $0x50, v0;
	v14 =	vld [tilespmem:$0x50]  }
0x15: {  	v6 =	vor.u32 $0x60, v0;
	v7 =	vor.u32 $0x70, v0;
	v21 =	vld [tilespmem:$0x40];
	v15 =	vshll.u32 v9, $0x2  }
0x16: {  	v9 =	vshll.u32 v9, $0x7;
	v16 =	vshll.u32 v8, $0x2;
	v17 =	vshll.u32 v11, $0x2  }
0x17: {  	v18 =	vshll.u32 v10, $0x2;
	v8 =	vshll.u32 v8, $0x7;
	v10 =	vshll.u32 v10, $0x7  }
0x18: {  	v19 =	vshll.u32 v12, $0x2;
	v20 =	vshll.u32 v13, $0x7;
	v12 =	vshll.u32 v12, $0x7  }
0x19: {  	v22 =	vshll.u32 v14, $0x7;
	v13 =	vshll.u32 v13, $0x2;
	v14 =	vshll.u32 v14, $0x2  }
0x1a: {  	v11 =	vshll.u32 v11, $0x7;
	v23 =	vshll.u32 v21, $0x2;
	v21 =	vshll.u32 v21, $0x7  }
0x1b: {  	v15 =	vand.u32 $0x3FFFE0, v15;
	v9 =	vand.u32 $0x380, v9;
	v16 =	vand.u32 $0x3FFFE0, v16  }
0x1c: {  	v8 =	vand.u32 $0x380, v8;
	v17 =	vand.u32 $0x3FFFE0, v17;
	v22 =	vand.u32 $0x380, v22  }
0x1d: {  	v18 =	vand.u32 $0x3FFFE0, v18;
	v19 =	vand.u32 $0x3FFFE0, v19;
	v12 =	vand.u32 $0x380, v12  }
0x1e: {  	v14 =	vand.u32 $0x3FFFE0, v14;
	v13 =	vand.u32 $0x3FFFE0, v13;
	v23 =	vand.u32 $0x3FFFE0, v23  }
0x1f: {  	v20 =	vand.u32 $0x380, v20;
	v21 =	vand.u32 $0x380, v21;
	v11 =	vand.u32 $0x380, v11  }
0x20: {  	v15 =	vadd.s32 v1, v15;
	v16 =	vadd.s32 v1, v16;
	v17 =	vadd.s32 v1, v17  }
0x21: {  	v19 =	vadd.s32 v1, v19;
	v13 =	vadd.s32 v1, v13;
	v23 =	vadd.s32 v1, v23  }
0x22: {  	v14 =	vadd.s32 v1, v14;
	v15 =	vshll.u32 v15, $0xA;
	v13 =	vshll.u32 v13, $0xA  }
0x23: {  	v23 =	vshll.u32 v23, $0xA;
	v59 =	vshll.u32 v16, $0xA;
	v13 =	vor.u32 v20, v13  }
0x24: {  	v60 =	vshll.u32 v17, $0xA;
	v58 =	vor.u32 v21, v23;
	v13 =	vor.u32 v6, v13  }
0x25: {  	v61 =	vshll.u32 v19, $0xA;
	v9 =	vor.u32 v9, v15;
	v20 =	vor.u32 v4, v58;
	[tilespmem:$0xE0] =	vst v13  }
0x26: {  	v8 =	vor.u32 v8, v59;
	v11 =	vor.u32 v11, v60;
	v9 =	vor.u32 v7, v9;
	[tilespmem:$0xC0] =	vst v20  }
0x27: {  	[tilespmem:$0xF0] =	vst v9;
	v9 =	vor.u32 v0, v8;
	v8 =	vor.u32 v2, v11;
	v11 =	vor.u32 v12, v61  }
0x28: {  	v62 =	vshll.u32 v14, $0xA;
	[tilespmem:$0x90] =	vst v8;
	v8 =	vadd.s32 v1, v18;
	v11 =	vor.u32 v3, v11  }
0x29: {  	v10 =	vand.u32 $0x380, v10;
	v63 =	vshll.u32 v8, $0xA;
	[tilespmem:$0xB0] =	vst v11;
	v11 =	vor.u32 v22, v62  }
0x2a: {  	s10 =	ssub.s32 $0x2, s10;
	[tilespmem:$0x80] =	vst v9;
	v8 =	vor.u32 $0x20, v0;
	v9 =	vor.u32 v10, v63;
	v10 =	vor.u32 v5, v11  }
0x2b: {  	s12 =	simm.s32 $0x180;
	s14 =	sshrl.u32 s10, $0x1;
	v9 =	vor.u32 v8, v9;
	[tilespmem:$0xD0] =	vst v10  }
0x2c: {  	s13 =	simm.s32 $0x2;
	s11 =	simm.s32 $0x80;
	s10 =	ssub.s32 s10, s14;
	[tilespmem:$0xA0] =	vst v9  }
0x2d: {  	[tilespmem:s12], [sflag:$0x1] =	stream.indirect.gather [hbm4b:s3+s11], $0x1, s11, s11, $0xb8;
	[tilespmem:$0x280] =	vst v63  }
0x2e: {  	s14 =	smax.u32 s10, $0x1;
	_ =	swait.ge [sflag:s13], $0x80  }
0x2f: {  	p0 =	sne.s32 s14, $0x1;
	[sflag:s13] =	ssyncset.done $0x0  }
.Ltmp0:
0x30: {  	[sflag:s13] =	ssyncadd.s32 $0xFFFFFF80;
	(pc) =	sbr.rel @!p0 .LBB2_2-.Ltmp0, $4  }
0x31: {  	_ =	swait.ge [sflag:s7], $0x80  }
0x32: {  	s9 =	sshll.u32 s9, $0x1;
	[sflag:s7] =	ssyncset.done $0x0  }
0x33: {  	s8 =	sadd.s32 s8, s9;
	[sflag:s7] =	ssyncadd.s32 $0xFFFFFF80  }
0x34: {  	s9 =	simm.s32 $0x3;
	s10 =	simm.s32 $0x200;
	s14 =	sadd.s32 $0xFFFFFFFF, s14;
	v9 =	vld [tilespmem:$0x180]  }
.LBB2_1:
0x35: {  	p0 =	sne.s32 s14, $0x1;
	s14 =	sadd.s32 $0xFFFFFFFF, s14;
	v10 =	vld [tilespmem:$0x100]  }
0x36: {  	v11 =	vld [tilespmem:$0x190]  }
0x37: {  	v12 =	vld [tilespmem:$0x110]  }
0x38: {  	v13 =	vld [tilespmem:$0x1A0]  }
0x39: {  	v14 =	vld [tilespmem:$0x120]  }
0x3a: {  	v9 =	vmul.f32 v10, v9;
	v10 =	vld [tilespmem:$0x1B0]  }
0x3b: {  	v15 =	vld [tilespmem:$0x130]  }
0x3c: {  	v9 =	vadd.f32 $0.0e+00, v9;
	v11 =	vmul.f32 v12, v11;
	v12 =	vld [tilespmem:$0x1C0]  }
0x3d: {  	v16 =	vld [tilespmem:$0x140]  }
0x3e: {  	v9 =	vadd.f32 v11, v9;
	v11 =	vmul.f32 v14, v13;
	v13 =	vld [tilespmem:$0x1D0]  }
0x3f: {  	v14 =	vld [tilespmem:$0x150]  }
0x40: {  	v9 =	vadd.f32 v11, v9;
	v10 =	vmul.f32 v15, v10;
	v11 =	vld [tilespmem:$0x1E0]  }
0x41: {  	v15 =	vld [tilespmem:$0x160]  }
0x42: {  	v9 =	vadd.f32 v10, v9;
	v10 =	vmul.f32 v16, v12;
	v12 =	vld [tilespmem:$0x1F0]  }
0x43: {  	v16 =	vld [tilespmem:$0x170]  }
0x44: {  	v9 =	vadd.f32 v10, v9;
	v10 =	vmul.f32 v14, v13;
	_ =	sdelay $0x1  }
0x45: {  	v9 =	vadd.f32 v10, v9;
	v10 =	vmul.f32 v15, v11;
	_ =	sdelay $0x1  }
0x46: {  	v9 =	vadd.f32 v10, v9;
	v10 =	vmul.f32 v16, v12;
	_ =	sdelay $0x1  }
0x47: {  	v9 =	vadd.f32 v10, v9;
	_ =	sdelay $0x1  }
0x48: {  	v9 =	vsub.f32 $0.0e+00, v9;
	_ =	sdelay $0x1  }
0x49: {  	[tilespmem:$0x200] =	vst v9  }
0x4a: {  	[hbm4b:s8+s2] =	stream.linear.scatter [tilespmem:s10], [sflag:$0x3], $0x10, $0x38;
	[tilespmem:$0x280] =	vst v63  }
0x4b: {  	_ =	swait.ge [sflag:s9], $0x10  }
0x4c: {  	[sflag:s9] =	ssyncset.done $0x0  }
0x4d: {  	[sflag:s9] =	ssyncadd.s32 $0xFFFFFFF0  }
0x4e: {  	[tilespmem:s2], [sflag:$0x1] =	stream.linear.gather [hbm4b:s4+s2], $0x80, $0x38;
	[tilespmem:$0x280] =	vst v63  }
0x4f: {  	_ = 	snop  }
0x50: {  	[tilespmem:s6], [sflag:$0x2] =	stream.linear.gather [hbm4b:s5+s2], $0x80, $0x38;
	[tilespmem:$0x280] =	vst v63  }
0x51: {  	_ =	swait.ge [sflag:s7], $0x80  }
0x52: {  	[sflag:s7] =	ssyncset.done $0x0  }
0x53: {  	[sflag:s7] =	ssyncadd.s32 $0xFFFFFF80  }
0x54: {  	v9 =	vld [tilespmem:$0x0]  }
0x55: {  	v10 =	vld [tilespmem:$0x70]  }
0x56: {  	v11 =	vld [tilespmem:$0x20]  }
0x57: {  	v12 =	vld [tilespmem:$0x10]  }
0x58: {  	v13 =	vld [tilespmem:$0x30]  }
0x59: {  	v14 =	vld [tilespmem:$0x60]  }
0x5a: {  	v15 =	vld [tilespmem:$0x50];
	v16 =	vshll.u32 v10, $0x2;
	v10 =	vshll.u32 v10, $0x7  }
0x5b: {  	v17 =	vshll.u32 v9, $0x2;
	v16 =	vand.u32 $0x3FFFE0, v16;
	v10 =	vand.u32 $0x380, v10  }
0x5c: {  	v19 =	vshll.u32 v11, $0x2;
	v18 =	vshll.u32 v12, $0x2;
	v16 =	vadd.s32 v1, v16  }
0x5d: {  	v9 =	vshll.u32 v9, $0x7;
	v17 =	vand.u32 $0x3FFFE0, v17;
	v11 =	vshll.u32 v11, $0x7  }
0x5e: {  	v20 =	vshll.u32 v13, $0x2;
	v21 =	vshll.u32 v14, $0x7  }
0x5f: {  	v9 =	vand.u32 $0x380, v9;
	v13 =	vshll.u32 v13, $0x7;
	v22 =	vld [tilespmem:$0x40];
	v23 =	vshll.u32 v15, $0x7  }
0x60: {  	v18 =	vand.u32 $0x3FFFE0, v18;
	v14 =	vshll.u32 v14, $0x2;
	v23 =	vand.u32 $0x380, v23  }
0x61: {  	v17 =	vadd.s32 v1, v17;
	v19 =	vand.u32 $0x3FFFE0, v19;
	v20 =	vand.u32 $0x3FFFE0, v20  }
0x62: {  	v18 =	vadd.s32 v1, v18;
	v13 =	vand.u32 $0x380, v13;
	v15 =	vshll.u32 v15, $0x2  }
0x63: {  	v16 =	vshll.u32 v16, $0xA;
	v20 =	vadd.s32 v1, v20;
	v15 =	vand.u32 $0x3FFFE0, v15  }
0x64: {  	v12 =	vshll.u32 v12, $0x7;
	v14 =	vand.u32 $0x3FFFE0, v14;
	v24 =	vshll.u32 v22, $0x2  }
0x65: {  	v21 =	vand.u32 $0x380, v21;
	v14 =	vadd.s32 v1, v14;
	v24 =	vand.u32 $0x3FFFE0, v24  }
0x66: {  	v14 =	vshll.u32 v14, $0xA;
	v22 =	vshll.u32 v22, $0x7;
	v24 =	vadd.s32 v1, v24  }
0x67: {  	v14 =	vor.u32 v21, v14;
	v22 =	vand.u32 $0x380, v22;
	v24 =	vshll.u32 v24, $0xA  }
0x68: {  	v12 =	vand.u32 $0x380, v12;
	v14 =	vor.u32 v6, v14;
	v21 =	vor.u32 v22, v24  }
0x69: {  	v10 =	vor.u32 v10, v16;
	v15 =	vadd.s32 v1, v15;
	v21 =	vor.u32 v4, v21;
	[tilespmem:$0xE0] =	vst v14  }
0x6a: {  	v16 =	vshll.u32 v18, $0xA;
	v10 =	vor.u32 v7, v10;
	v14 =	vshll.u32 v17, $0xA;
	[tilespmem:$0xC0] =	vst v21  }
0x6b: {  	v12 =	vor.u32 v12, v16;
	v9 =	vor.u32 v9, v14;
	v14 =	vshll.u32 v20, $0xA;
	[tilespmem:$0xF0] =	vst v10  }
0x6c: {  	v9 =	vor.u32 v0, v9;
	v10 =	vor.u32 v2, v12;
	v12 =	vor.u32 v13, v14  }
0x6d: {  	v13 =	vshll.u32 v15, $0xA;
	v12 =	vor.u32 v3, v12;
	[tilespmem:$0x90] =	vst v10;
	v10 =	vadd.s32 v1, v19  }
0x6e: {  	v11 =	vand.u32 $0x380, v11;
	v10 =	vshll.u32 v10, $0xA;
	[tilespmem:$0xB0] =	vst v12;
	v12 =	vor.u32 v23, v13  }
0x6f: {  	[tilespmem:$0x80] =	vst v9;
	v9 =	vor.u32 v11, v10;
	v10 =	vor.u32 v5, v12  }
0x70: {  	v9 =	vor.u32 v8, v9;
	[tilespmem:$0xD0] =	vst v10  }
0x71: {  	[tilespmem:$0xA0] =	vst v9  }
0x72: {  	[tilespmem:s12], [sflag:$0x1] =	stream.indirect.gather [hbm4b:s3+s11], $0x1, s11, s11, $0xb8;
	[tilespmem:$0x280] =	vst v63  }
0x73: {  	_ =	swait.ge [sflag:s13], $0x80  }
0x74: {  	[sflag:s13] =	ssyncset.done $0x0  }
.Ltmp1:
0x75: {  	[sflag:s13] =	ssyncadd.s32 $0xFFFFFF80;
	(pc) =	sbr.rel @p0 .LBB2_1-.Ltmp1, $4  }
0x76: {  	_ =	swait.ge [sflag:s7], $0x80  }
0x77: {  	[sflag:s7] =	ssyncset.done $0x0  }
0x78: {  	[sflag:s7] =	ssyncadd.s32 $0xFFFFFF80  }
0x79: {  	v9 =	vld [tilespmem:$0x180]  }
.LBB2_2:
0x7a: {  	v0 =	vld [tilespmem:$0x100]  }
0x7b: {  	v1 =	vld [tilespmem:$0x190]  }
0x7c: {  	v2 =	vld [tilespmem:$0x110]  }
0x7d: {  	v3 =	vld [tilespmem:$0x1A0]  }
0x7e: {  	v4 =	vld [tilespmem:$0x120]  }
0x7f: {  	v5 =	vld [tilespmem:$0x1B0];
	v0 =	vmul.f32 v0, v9  }
0x80: {  	v6 =	vld [tilespmem:$0x130]  }
0x81: {  	v51 =	vld [tilespmem:$0x1C0];
	v1 =	vmul.f32 v2, v1;
	v0 =	vadd.f32 $0.0e+00, v0  }
0x82: {  	v7 =	vld [tilespmem:$0x140]  }
0x83: {  	v53 =	vld [tilespmem:$0x1D0];
	v52 =	vmul.f32 v4, v3;
	v0 =	vadd.f32 v1, v0  }
0x84: {  	v54 =	vld [tilespmem:$0x150]  }
0x85: {  	v56 =	vld [tilespmem:$0x1E0];
	v55 =	vmul.f32 v6, v5;
	v0 =	vadd.f32 v52, v0  }
0x86: {  	v57 =	vld [tilespmem:$0x160]  }
0x87: {  	v59 =	vld [tilespmem:$0x1F0];
	v58 =	vmul.f32 v7, v51;
	v0 =	vadd.f32 v55, v0  }
0x88: {  	v60 =	vld [tilespmem:$0x170]  }
0x89: {  	v61 =	vmul.f32 v54, v53;
	v0 =	vadd.f32 v58, v0;
	_ =	sdelay $0x1  }
0x8a: {  	v62 =	vmul.f32 v57, v56;
	v0 =	vadd.f32 v61, v0;
	_ =	sdelay $0x1  }
0x8b: {  	v63 =	vmul.f32 v60, v59;
	v0 =	vadd.f32 v62, v0;
	_ =	sdelay $0x1  }
0x8c: {  	v0 =	vadd.f32 v63, v0;
	_ =	sdelay $0x1  }
0x8d: {  	v0 =	vsub.f32 $0.0e+00, v0;
	_ =	sdelay $0x1  }
0x8e: {  	[tilespmem:$0x200] =	vst v0  }
0x8f: {  	[hbm4b:s8+s2] =	stream.linear.scatter [tilespmem:s10], [sflag:$0x3], $0x10, $0x38;
	[tilespmem:$0x280] =	vst v63  }
0x90: {  	_ =	swait.ge [sflag:s9], $0x10  }
0x91: {  	[sflag:s9] =	ssyncset.done $0x0  }
0x92: {  	[sflag:s9] =	ssyncadd.s32 $0xFFFFFFF0  }
0x93: {  	_ =	sfence.sel $0x180000  }
0x94: {  	[bflag:$0x0] =	sbarrier.arrive $0xFFFF  }
0x95: {  	p0 =	sne.s32 s0, $0x0;
	_ =	strace $0x90000047  }
0x96: {  	s0 =	sadd.s32 @!p0 $0x100000, s1;
	[bflag:$0x2] =	sbarrier.arrive $0xFFFF  }
0x97: {  	[sflag:s0] =	ssyncadd.tile.s32 @!p0 $0x1;
	_ =	shalt  }
.Lfunc_end2:
_tile_overlayer_lowered:
.L_overlay_start_2:
0x98: {  	(tag) =	ssettag $0x2  }
0x99: {  	s0 =	rddreg [dreg:$0x0];
	s2 =	stileid.u32  }
0x9a: {  	s1 =	rddreg [dreg:$0x1];
	p0 =	sne.s32 s2, $0x0  }
0x9b: {  	s3 =	rddreg [dreg:$0x2];
	[bflag:$0x3] =	sbarrier.arrive $0xFFFF;
	s2 =	simm.s32 @!p0 $0x1C03  }
0x9c: {  	[timem:s3], [sflag:s2] =	dma.local @!p0 [hbm:s0], s1  }
0x9d: {  	s0 =	simm.s32 @!p0 $0x3  }
0x9e: {  	_ =	swait.ge @!p0 [sflag:s0], s1  }
0x9f: {  	s1 =	ssub.s32 @!p0 $0x0, s1;
	[sflag:s0] =	ssyncset.done @!p0 $0x0  }
0xa0: {  	[sflag:s0] =	ssyncadd.s32 @!p0 s1  }
0xa1: {  	[bflag:$0x3] =	sbarrier.arrive $0xFFFF  }
0xa2: {  	_ =	shalt  }

</sc_bundles>
